<compile_context>
chip_gen: v7x
topology: tpu7x:2x2x1
jax: 0.10.2.dev20260603
libtpu: 0.0.44.dev20260713+nightly
codegen_flags: <defaults>
</compile_context>

<pallas_src>
import functools

import jax
import jax.numpy as jnp
from jax import lax
from jax.experimental import pallas as pl
from jax.experimental.pallas import tpu as pltpu
from jax.experimental.pallas import tpu_sc as plsc

B = 16384
D = 128
CH = 128


def _gather_sc(gas, table):
    info = plsc.get_sparse_core_info()
    nw = info.num_cores * info.num_subcores
    b_per_w = B // nw
    n_chunks = b_per_w // CH
    mesh = plsc.VectorSubcoreMesh(core_axis_name="c", subcore_axis_name="s")

    v = table.shape[0]

    @functools.partial(
        pl.kernel,
        out_type=jax.ShapeDtypeStruct((B, 2 * D), jnp.float32),
        mesh=mesh,
        scratch_types=[
            pltpu.VMEM((b_per_w,), jnp.int32),
            pltpu.VMEM_SHARED((v, D), jnp.float32),
            pltpu.VMEM((n_chunks, CH, D), jnp.float32),
            pltpu.SemaphoreType.DMA,
            pltpu.SemaphoreType.DMA,
            pltpu.SemaphoreType.DMA,
        ]
        + [pltpu.SemaphoreType.DMA for _ in range(n_chunks)],
    )
    def gather_kernel(gas_hbm, table_hbm, out_hbm, idx_v, tab_v, buf_v,
                      tsem, isem, wsem, *gsems):
        sid = lax.axis_index("s")
        wid = sid * info.num_cores + lax.axis_index("c")
        base = wid * b_per_w
        @pl.when(sid == 0)
        def _():
            pltpu.async_copy(table_hbm, tab_v, tsem).wait()

        idx_copy = pltpu.async_copy(
            gas_hbm.at[pl.ds(base, b_per_w)], idx_v, isem
        )
        plsc.subcore_barrier()
        idx_copy.wait()
        gathers = []
        for j in range(n_chunks):
            gathers.append(
                pltpu.async_copy(
                    tab_v.at[idx_v.at[pl.ds(j * CH, CH)]],
                    buf_v.at[j],
                    gsems[j],
                )
            )
        writes = []
        for j in range(n_chunks):
            gathers[j].wait()
            writes.append(
                pltpu.async_copy(
                    buf_v.at[j],
                    out_hbm.at[pl.ds(base + j * CH, CH), pl.ds(0, D)],
                    wsem,
                )
            )
        for w in writes:
            w.wait()

    return gather_kernel(gas, table)


def _mlp_body(wide_ref, attr_ref, w1_ref, b1_ref, w2_ref, b2_ref, out_ref):
    del wide_ref
    h = lax.dot_general(
        attr_ref[...], w1_ref[...],
        (((1,), (1,)), ((), ())),
        preferred_element_type=jnp.float32,
    )
    h = jnp.maximum(h + b1_ref[...], 0.0)
    out_ref[...] = lax.dot_general(
        h, w2_ref[...],
        (((1,), (1,)), ((), ())),
        preferred_element_type=jnp.float32,
    ) + b2_ref[...]


def _mlp_concat(wide, gas_attr, W1, b1, W2, b2, blk=8192):
    grid = (B // blk,)
    return pl.pallas_call(
        _mlp_body,
        grid=grid,
        in_specs=[
            pl.BlockSpec(memory_space=pl.ANY),
            pl.BlockSpec((blk, D), lambda i: (i, 0)),
            pl.BlockSpec((D, D), lambda i: (0, 0)),
            pl.BlockSpec((1, D), lambda i: (0, 0)),
            pl.BlockSpec((D, D), lambda i: (0, 0)),
            pl.BlockSpec((1, D), lambda i: (0, 0)),
        ],
        out_specs=pl.BlockSpec((blk, D), lambda i: (i, 1)),
        out_shape=jax.ShapeDtypeStruct((B, 2 * D), jnp.float32),
        input_output_aliases={0: 0},
    )(wide, gas_attr, W1, b1, W2, b2)


def kernel(gas, gas_attr, table, W1, b1, W2, b2):
    wide = _gather_sc(gas.astype(jnp.int32), table)
    return _mlp_concat(
        wide, gas_attr, W1, b1.reshape(1, D), W2, b2.reshape(1, D)
    )

# --- scband reference (transcript-rebuilt; emitter-appended) ---
"""Pipeline reference for scband-gas-model-4355096838932 (READ-ONLY COPY).

The authoritative reference and input builder live on the scoring server;
editing this copy changes nothing except your own understanding.
"""

import jax, jax.numpy as jnp
import numpy as np

B = 16384
ATTR_DIM = 128
GAS_DIM = 128
MAX_COUNT = 500


def setup_inputs(seed: int = 0) -> dict:
    key = jax.random.key(seed)
    k1, k2, k3, k4, k5, k6, k7 = jax.random.split(key, 7)
    gas = jax.random.randint(k1, (B,), 0, MAX_COUNT, dtype=jnp.int64 if jax.config.jax_enable_x64 else jnp.int32)
    gas_attr = jax.random.normal(k2, (B, ATTR_DIM), dtype=jnp.float32)
    # parameters
    table = jax.random.normal(k3, (MAX_COUNT, GAS_DIM), dtype=jnp.float32)
    W1 = jax.random.normal(k4, (ATTR_DIM, ATTR_DIM), dtype=jnp.float32) * (1.0 / np.sqrt(ATTR_DIM))
    b1 = jnp.zeros((ATTR_DIM,), dtype=jnp.float32)
    W2 = jax.random.normal(k5, (GAS_DIM, ATTR_DIM), dtype=jnp.float32) * (1.0 / np.sqrt(ATTR_DIM))
    b2 = jnp.zeros((GAS_DIM,), dtype=jnp.float32)
    return {"gas": gas, "gas_attr": gas_attr, "table": table, "W1": W1, "b1": b1, "W2": W2, "b2": b2}


def reference(gas, gas_attr, table, W1, b1, W2, b2):
    # embedding lookup
    gas_embed = jnp.take(table, gas, axis=0)
    # NonLinearHead: linear1 -> relu -> linear2 (torch Linear: x @ W.T + b)
    h = gas_attr @ W1.T + b1
    h = jax.nn.relu(h)
    gas_attr_embed = h @ W2.T + b2
    gas_repr = jnp.concatenate([gas_embed, gas_attr_embed], axis=-1)
    return gas_repr

if __name__ == "__main__":
    import jax
    _d = setup_inputs()
    print(jax.jit(kernel)(*tuple(_d.values())))

</pallas_src>

<mosaic_0001>
#map = affine_map<(d0, d1) -> (0)>
#map1 = affine_map<(d0, d1) -> (0, 0)>
module attributes {stable_mosaic.version = 14 : i64} {
  func.func @gather_kernel(%arg0: i32, %arg1: i32, %arg2: memref<16384xi32, #tpu.memory_space<hbm>>, %arg3: memref<500x128xf32, #tpu.memory_space<hbm>>, %arg4: memref<16384x256xf32, #tpu.memory_space<hbm>>, %arg5: memref<512xi32, #tpu.memory_space<vmem>>, %arg6: memref<500x128xf32, #tpu.memory_space<vmem_shared>>, %arg7: memref<4x128x128xf32, #tpu.memory_space<vmem>>, %arg8: memref<!tpu.dma_semaphore, #tpu.memory_space<semaphore_mem>>, %arg9: memref<!tpu.dma_semaphore, #tpu.memory_space<semaphore_mem>>, %arg10: memref<!tpu.dma_semaphore, #tpu.memory_space<semaphore_mem>>, %arg11: memref<!tpu.dma_semaphore, #tpu.memory_space<semaphore_mem>>, %arg12: memref<!tpu.dma_semaphore, #tpu.memory_space<semaphore_mem>>, %arg13: memref<!tpu.dma_semaphore, #tpu.memory_space<semaphore_mem>>, %arg14: memref<!tpu.dma_semaphore, #tpu.memory_space<semaphore_mem>>) attributes {dimension_semantics = [#tpu.dimension_semantics<core_parallel>, #tpu.dimension_semantics<subcore_parallel>], iteration_bounds = array<i64: 2, 16>, scalar_prefetch = 0 : i64, scratch_operands = 10 : i64, tpu.core_type = #tpu.core_type<sc_vector_subcore>, window_params = [{transform_indices = #map}, {transform_indices = #map1}, {transform_indices = #map1}]} {
    %mul3A = arith.constant 2 : i32
    %mul3A_0 = arith.muli %arg1, %mul3A : i32
    %add3A = arith.addi %mul3A_0, %arg0 : i32
    %mul3A_1 = arith.constant 512 : i32
    %mul3A_2 = arith.muli %add3A, %mul3A_1 : i32
    %eq3A = arith.constant 0 : i32
    %eq3A_3 = arith.cmpi eq, %arg1, %eq3A : i32
    %convert_element_type3A = arith.extui %eq3A_3 : i1 to i32
    %cond3A = arith.constant 0 : i32
    %cond3A_4 = arith.cmpi ne, %convert_element_type3A, %cond3A : i32
    scf.if %cond3A_4 {
      tpu.enqueue_dma source(%arg3 : memref<500x128xf32, #tpu.memory_space<hbm>>) target(%arg6 : memref<500x128xf32, #tpu.memory_space<vmem_shared>>) target_semaphore(%arg8 : memref<!tpu.dma_semaphore, #tpu.memory_space<semaphore_mem>>)
      tpu.wait_dma2 semaphore(%arg8 : memref<!tpu.dma_semaphore, #tpu.memory_space<semaphore_mem>>) src(%arg3 : memref<500x128xf32, #tpu.memory_space<hbm>>) dst(%arg6 : memref<500x128xf32, #tpu.memory_space<vmem_shared>>)
    } else {
    }
    %dma_start3A = tpu.memref_slice %arg2[%mul3A_2] : memref<16384xi32, #tpu.memory_space<hbm>> -> memref<512xi32, #tpu.memory_space<hbm>>
    %dma_start3A_5 = tpu.memref_slice %arg2[%mul3A_2] : memref<16384xi32, #tpu.memory_space<hbm>> -> memref<512xi32, #tpu.memory_space<hbm>>
    tpu.enqueue_dma source(%dma_start3A_5 : memref<512xi32, #tpu.memory_space<hbm>>) target(%arg5 : memref<512xi32, #tpu.memory_space<vmem>>) target_semaphore(%arg9 : memref<!tpu.dma_semaphore, #tpu.memory_space<semaphore_mem>>)
    %barrier3A = arith.constant 0 : index
    tpu.barrier barrier_id(%barrier3A)
    %dma_wait3A = tpu.memref_slice %arg2[%mul3A_2] : memref<16384xi32, #tpu.memory_space<hbm>> -> memref<512xi32, #tpu.memory_space<hbm>>
    %dma_wait3A_6 = tpu.memref_slice %arg2[%mul3A_2] : memref<16384xi32, #tpu.memory_space<hbm>> -> memref<512xi32, #tpu.memory_space<hbm>>
    tpu.wait_dma2 semaphore(%arg9 : memref<!tpu.dma_semaphore, #tpu.memory_space<semaphore_mem>>) src(%dma_wait3A_6 : memref<512xi32, #tpu.memory_space<hbm>>) dst(%arg5 : memref<512xi32, #tpu.memory_space<vmem>>)
    %dma_start3A_7 = arith.constant 0 : i32
    %dma_start3A_8 = arith.constant 0 : i32
    %dma_start3A_9 = arith.constant 0 : i32
    %dma_start3A_10 = tpu.memref_slice %arg7[%dma_start3A_7, %dma_start3A_8, %dma_start3A_9] : memref<4x128x128xf32, #tpu.memory_space<vmem>> -> memref<1x128x128xf32, #tpu.memory_space<vmem>>
    %dma_start3A_11 = tpu.memref_squeeze %dma_start3A_10 : memref<1x128x128xf32, #tpu.memory_space<vmem>> -> memref<128x128xf32, #tpu.memory_space<vmem>>
    %dma_start3A_12 = arith.constant 0 : i32
    %dma_start3A_13 = tpu.memref_slice %arg5[%dma_start3A_12] : memref<512xi32, #tpu.memory_space<vmem>> -> memref<128xi32, #tpu.memory_space<vmem>>
    %dma_start3A_14 = arith.constant 0 : i32
    %dma_start3A_15 = arith.constant 0 : i32
    %dma_start3A_16 = tpu.memref_slice %arg6[%dma_start3A_14, %dma_start3A_15] : memref<500x128xf32, #tpu.memory_space<vmem_shared>> -> memref<500x128xf32, #tpu.memory_space<vmem_shared>>
    tpu.enqueue_indirect_dma source(%dma_start3A_16 : memref<500x128xf32, #tpu.memory_space<vmem_shared>>) target(%dma_start3A_11 : memref<128x128xf32, #tpu.memory_space<vmem>>) offsets(%dma_start3A_13 : memref<128xi32, #tpu.memory_space<vmem>>) semaphore(%arg11 : memref<!tpu.dma_semaphore, #tpu.memory_space<semaphore_mem>>)
    %dma_start3A_17 = arith.constant 1 : i32
    %dma_start3A_18 = arith.constant 0 : i32
    %dma_start3A_19 = arith.constant 0 : i32
    %dma_start3A_20 = tpu.memref_slice %arg7[%dma_start3A_17, %dma_start3A_18, %dma_start3A_19] : memref<4x128x128xf32, #tpu.memory_space<vmem>> -> memref<1x128x128xf32, #tpu.memory_space<vmem>>
    %dma_start3A_21 = tpu.memref_squeeze %dma_start3A_20 : memref<1x128x128xf32, #tpu.memory_space<vmem>> -> memref<128x128xf32, #tpu.memory_space<vmem>>
    %dma_start3A_22 = arith.constant 128 : i32
    %dma_start3A_23 = tpu.memref_slice %arg5[%dma_start3A_22] : memref<512xi32, #tpu.memory_space<vmem>> -> memref<128xi32, #tpu.memory_space<vmem>>
    %dma_start3A_24 = arith.constant 0 : i32
    %dma_start3A_25 = arith.constant 0 : i32
    %dma_start3A_26 = tpu.memref_slice %arg6[%dma_start3A_24, %dma_start3A_25] : memref<500x128xf32, #tpu.memory_space<vmem_shared>> -> memref<500x128xf32, #tpu.memory_space<vmem_shared>>
    tpu.enqueue_indirect_dma source(%dma_start3A_26 : memref<500x128xf32, #tpu.memory_space<vmem_shared>>) target(%dma_start3A_21 : memref<128x128xf32, #tpu.memory_space<vmem>>) offsets(%dma_start3A_23 : memref<128xi32, #tpu.memory_space<vmem>>) semaphore(%arg12 : memref<!tpu.dma_semaphore, #tpu.memory_space<semaphore_mem>>)
    %dma_start3A_27 = arith.constant 2 : i32
    %dma_start3A_28 = arith.constant 0 : i32
    %dma_start3A_29 = arith.constant 0 : i32
    %dma_start3A_30 = tpu.memref_slice %arg7[%dma_start3A_27, %dma_start3A_28, %dma_start3A_29] : memref<4x128x128xf32, #tpu.memory_space<vmem>> -> memref<1x128x128xf32, #tpu.memory_space<vmem>>
    %dma_start3A_31 = tpu.memref_squeeze %dma_start3A_30 : memref<1x128x128xf32, #tpu.memory_space<vmem>> -> memref<128x128xf32, #tpu.memory_space<vmem>>
    %dma_start3A_32 = arith.constant 256 : i32
    %dma_start3A_33 = tpu.memref_slice %arg5[%dma_start3A_32] : memref<512xi32, #tpu.memory_space<vmem>> -> memref<128xi32, #tpu.memory_space<vmem>>
    %dma_start3A_34 = arith.constant 0 : i32
    %dma_start3A_35 = arith.constant 0 : i32
    %dma_start3A_36 = tpu.memref_slice %arg6[%dma_start3A_34, %dma_start3A_35] : memref<500x128xf32, #tpu.memory_space<vmem_shared>> -> memref<500x128xf32, #tpu.memory_space<vmem_shared>>
    tpu.enqueue_indirect_dma source(%dma_start3A_36 : memref<500x128xf32, #tpu.memory_space<vmem_shared>>) target(%dma_start3A_31 : memref<128x128xf32, #tpu.memory_space<vmem>>) offsets(%dma_start3A_33 : memref<128xi32, #tpu.memory_space<vmem>>) semaphore(%arg13 : memref<!tpu.dma_semaphore, #tpu.memory_space<semaphore_mem>>)
    %dma_start3A_37 = arith.constant 3 : i32
    %dma_start3A_38 = arith.constant 0 : i32
    %dma_start3A_39 = arith.constant 0 : i32
    %dma_start3A_40 = tpu.memref_slice %arg7[%dma_start3A_37, %dma_start3A_38, %dma_start3A_39] : memref<4x128x128xf32, #tpu.memory_space<vmem>> -> memref<1x128x128xf32, #tpu.memory_space<vmem>>
    %dma_start3A_41 = tpu.memref_squeeze %dma_start3A_40 : memref<1x128x128xf32, #tpu.memory_space<vmem>> -> memref<128x128xf32, #tpu.memory_space<vmem>>
    %dma_start3A_42 = arith.constant 384 : i32
    %dma_start3A_43 = tpu.memref_slice %arg5[%dma_start3A_42] : memref<512xi32, #tpu.memory_space<vmem>> -> memref<128xi32, #tpu.memory_space<vmem>>
    %dma_start3A_44 = arith.constant 0 : i32
    %dma_start3A_45 = arith.constant 0 : i32
    %dma_start3A_46 = tpu.memref_slice %arg6[%dma_start3A_44, %dma_start3A_45] : memref<500x128xf32, #tpu.memory_space<vmem_shared>> -> memref<500x128xf32, #tpu.memory_space<vmem_shared>>
    tpu.enqueue_indirect_dma source(%dma_start3A_46 : memref<500x128xf32, #tpu.memory_space<vmem_shared>>) target(%dma_start3A_41 : memref<128x128xf32, #tpu.memory_space<vmem>>) offsets(%dma_start3A_43 : memref<128xi32, #tpu.memory_space<vmem>>) semaphore(%arg14 : memref<!tpu.dma_semaphore, #tpu.memory_space<semaphore_mem>>)
    %dma_wait3A_47 = arith.constant 0 : i32
    %dma_wait3A_48 = arith.constant 0 : i32
    %dma_wait3A_49 = arith.constant 0 : i32
    %dma_wait3A_50 = tpu.memref_slice %arg7[%dma_wait3A_47, %dma_wait3A_48, %dma_wait3A_49] : memref<4x128x128xf32, #tpu.memory_space<vmem>> -> memref<1x128x128xf32, #tpu.memory_space<vmem>>
    %dma_wait3A_51 = tpu.memref_squeeze %dma_wait3A_50 : memref<1x128x128xf32, #tpu.memory_space<vmem>> -> memref<128x128xf32, #tpu.memory_space<vmem>>
    %dma_wait3A_52 = arith.constant 0 : i32
    %dma_wait3A_53 = tpu.memref_slice %arg5[%dma_wait3A_52] : memref<512xi32, #tpu.memory_space<vmem>> -> memref<128xi32, #tpu.memory_space<vmem>>
    %dma_wait3A_54 = arith.constant 0 : i32
    %dma_wait3A_55 = arith.constant 0 : i32
    %dma_wait3A_56 = tpu.memref_slice %arg6[%dma_wait3A_54, %dma_wait3A_55] : memref<500x128xf32, #tpu.memory_space<vmem_shared>> -> memref<500x128xf32, #tpu.memory_space<vmem_shared>>
    tpu.wait_indirect_dma semaphore(%arg11 : memref<!tpu.dma_semaphore, #tpu.memory_space<semaphore_mem>>) src(%dma_wait3A_56 : memref<500x128xf32, #tpu.memory_space<vmem_shared>>) dst(%dma_wait3A_51 : memref<128x128xf32, #tpu.memory_space<vmem>>)
    %add3A_57 = arith.constant 0 : i32
    %add3A_58 = arith.addi %mul3A_2, %add3A_57 : i32
    %dma_start3A_59 = arith.constant 0 : i32
    %dma_start3A_60 = arith.constant 0 : i32
    %dma_start3A_61 = arith.constant 0 : i32
    %dma_start3A_62 = tpu.memref_slice %arg7[%dma_start3A_59, %dma_start3A_60, %dma_start3A_61] : memref<4x128x128xf32, #tpu.memory_space<vmem>> -> memref<1x128x128xf32, #tpu.memory_space<vmem>>
    %dma_start3A_63 = tpu.memref_squeeze %dma_start3A_62 : memref<1x128x128xf32, #tpu.memory_space<vmem>> -> memref<128x128xf32, #tpu.memory_space<vmem>>
    %dma_start3A_64 = arith.constant 0 : i32
    %dma_start3A_65 = tpu.memref_slice %arg4[%add3A_58, %dma_start3A_64] : memref<16384x256xf32, #tpu.memory_space<hbm>> -> memref<128x128xf32, #tpu.memory_space<hbm>>
    %dma_start3A_66 = arith.constant 0 : i32
    %dma_start3A_67 = tpu.memref_slice %arg4[%add3A_58, %dma_start3A_66] : memref<16384x256xf32, #tpu.memory_space<hbm>> -> memref<128x128xf32, #tpu.memory_space<hbm>>
    %dma_start3A_68 = arith.constant 0 : i32
    %dma_start3A_69 = arith.constant 0 : i32
    %dma_start3A_70 = tpu.memref_slice %arg7[%dma_start3A_59, %dma_start3A_68, %dma_start3A_69] : memref<4x128x128xf32, #tpu.memory_space<vmem>> -> memref<1x128x128xf32, #tpu.memory_space<vmem>>
    %dma_start3A_71 = tpu.memref_squeeze %dma_start3A_70 : memref<1x128x128xf32, #tpu.memory_space<vmem>> -> memref<128x128xf32, #tpu.memory_space<vmem>>
    tpu.enqueue_dma source(%dma_start3A_71 : memref<128x128xf32, #tpu.memory_space<vmem>>) target(%dma_start3A_67 : memref<128x128xf32, #tpu.memory_space<hbm>>) target_semaphore(%arg10 : memref<!tpu.dma_semaphore, #tpu.memory_space<semaphore_mem>>)
    %dma_wait3A_72 = arith.constant 1 : i32
    %dma_wait3A_73 = arith.constant 0 : i32
    %dma_wait3A_74 = arith.constant 0 : i32
    %dma_wait3A_75 = tpu.memref_slice %arg7[%dma_wait3A_72, %dma_wait3A_73, %dma_wait3A_74] : memref<4x128x128xf32, #tpu.memory_space<vmem>> -> memref<1x128x128xf32, #tpu.memory_space<vmem>>
    %dma_wait3A_76 = tpu.memref_squeeze %dma_wait3A_75 : memref<1x128x128xf32, #tpu.memory_space<vmem>> -> memref<128x128xf32, #tpu.memory_space<vmem>>
    %dma_wait3A_77 = arith.constant 128 : i32
    %dma_wait3A_78 = tpu.memref_slice %arg5[%dma_wait3A_77] : memref<512xi32, #tpu.memory_space<vmem>> -> memref<128xi32, #tpu.memory_space<vmem>>
    %dma_wait3A_79 = arith.constant 0 : i32
    %dma_wait3A_80 = arith.constant 0 : i32
    %dma_wait3A_81 = tpu.memref_slice %arg6[%dma_wait3A_79, %dma_wait3A_80] : memref<500x128xf32, #tpu.memory_space<vmem_shared>> -> memref<500x128xf32, #tpu.memory_space<vmem_shared>>
    tpu.wait_indirect_dma semaphore(%arg12 : memref<!tpu.dma_semaphore, #tpu.memory_space<semaphore_mem>>) src(%dma_wait3A_81 : memref<500x128xf32, #tpu.memory_space<vmem_shared>>) dst(%dma_wait3A_76 : memref<128x128xf32, #tpu.memory_space<vmem>>)
    %add3A_82 = arith.constant 128 : i32
    %add3A_83 = arith.addi %mul3A_2, %add3A_82 : i32
    %dma_start3A_84 = arith.constant 1 : i32
    %dma_start3A_85 = arith.constant 0 : i32
    %dma_start3A_86 = arith.constant 0 : i32
    %dma_start3A_87 = tpu.memref_slice %arg7[%dma_start3A_84, %dma_start3A_85, %dma_start3A_86] : memref<4x128x128xf32, #tpu.memory_space<vmem>> -> memref<1x128x128xf32, #tpu.memory_space<vmem>>
    %dma_start3A_88 = tpu.memref_squeeze %dma_start3A_87 : memref<1x128x128xf32, #tpu.memory_space<vmem>> -> memref<128x128xf32, #tpu.memory_space<vmem>>
    %dma_start3A_89 = arith.constant 0 : i32
    %dma_start3A_90 = tpu.memref_slice %arg4[%add3A_83, %dma_start3A_89] : memref<16384x256xf32, #tpu.memory_space<hbm>> -> memref<128x128xf32, #tpu.memory_space<hbm>>
    %dma_start3A_91 = arith.constant 0 : i32
    %dma_start3A_92 = tpu.memref_slice %arg4[%add3A_83, %dma_start3A_91] : memref<16384x256xf32, #tpu.memory_space<hbm>> -> memref<128x128xf32, #tpu.memory_space<hbm>>
    %dma_start3A_93 = arith.constant 0 : i32
    %dma_start3A_94 = arith.constant 0 : i32
    %dma_start3A_95 = tpu.memref_slice %arg7[%dma_start3A_84, %dma_start3A_93, %dma_start3A_94] : memref<4x128x128xf32, #tpu.memory_space<vmem>> -> memref<1x128x128xf32, #tpu.memory_space<vmem>>
    %dma_start3A_96 = tpu.memref_squeeze %dma_start3A_95 : memref<1x128x128xf32, #tpu.memory_space<vmem>> -> memref<128x128xf32, #tpu.memory_space<vmem>>
    tpu.enqueue_dma source(%dma_start3A_96 : memref<128x128xf32, #tpu.memory_space<vmem>>) target(%dma_start3A_92 : memref<128x128xf32, #tpu.memory_space<hbm>>) target_semaphore(%arg10 : memref<!tpu.dma_semaphore, #tpu.memory_space<semaphore_mem>>)
    %dma_wait3A_97 = arith.constant 2 : i32
    %dma_wait3A_98 = arith.constant 0 : i32
    %dma_wait3A_99 = arith.constant 0 : i32
    %dma_wait3A_100 = tpu.memref_slice %arg7[%dma_wait3A_97, %dma_wait3A_98, %dma_wait3A_99] : memref<4x128x128xf32, #tpu.memory_space<vmem>> -> memref<1x128x128xf32, #tpu.memory_space<vmem>>
    %dma_wait3A_101 = tpu.memref_squeeze %dma_wait3A_100 : memref<1x128x128xf32, #tpu.memory_space<vmem>> -> memref<128x128xf32, #tpu.memory_space<vmem>>
    %dma_wait3A_102 = arith.constant 256 : i32
    %dma_wait3A_103 = tpu.memref_slice %arg5[%dma_wait3A_102] : memref<512xi32, #tpu.memory_space<vmem>> -> memref<128xi32, #tpu.memory_space<vmem>>
    %dma_wait3A_104 = arith.constant 0 : i32
    %dma_wait3A_105 = arith.constant 0 : i32
    %dma_wait3A_106 = tpu.memref_slice %arg6[%dma_wait3A_104, %dma_wait3A_105] : memref<500x128xf32, #tpu.memory_space<vmem_shared>> -> memref<500x128xf32, #tpu.memory_space<vmem_shared>>
    tpu.wait_indirect_dma semaphore(%arg13 : memref<!tpu.dma_semaphore, #tpu.memory_space<semaphore_mem>>) src(%dma_wait3A_106 : memref<500x128xf32, #tpu.memory_space<vmem_shared>>) dst(%dma_wait3A_101 : memref<128x128xf32, #tpu.memory_space<vmem>>)
    %add3A_107 = arith.constant 256 : i32
    %add3A_108 = arith.addi %mul3A_2, %add3A_107 : i32
    %dma_start3A_109 = arith.constant 2 : i32
    %dma_start3A_110 = arith.constant 0 : i32
    %dma_start3A_111 = arith.constant 0 : i32
    %dma_start3A_112 = tpu.memref_slice %arg7[%dma_start3A_109, %dma_start3A_110, %dma_start3A_111] : memref<4x128x128xf32, #tpu.memory_space<vmem>> -> memref<1x128x128xf32, #tpu.memory_space<vmem>>
    %dma_start3A_113 = tpu.memref_squeeze %dma_start3A_112 : memref<1x128x128xf32, #tpu.memory_space<vmem>> -> memref<128x128xf32, #tpu.memory_space<vmem>>
    %dma_start3A_114 = arith.constant 0 : i32
    %dma_start3A_115 = tpu.memref_slice %arg4[%add3A_108, %dma_start3A_114] : memref<16384x256xf32, #tpu.memory_space<hbm>> -> memref<128x128xf32, #tpu.memory_space<hbm>>
    %dma_start3A_116 = arith.constant 0 : i32
    %dma_start3A_117 = tpu.memref_slice %arg4[%add3A_108, %dma_start3A_116] : memref<16384x256xf32, #tpu.memory_space<hbm>> -> memref<128x128xf32, #tpu.memory_space<hbm>>
    %dma_start3A_118 = arith.constant 0 : i32
    %dma_start3A_119 = arith.constant 0 : i32
    %dma_start3A_120 = tpu.memref_slice %arg7[%dma_start3A_109, %dma_start3A_118, %dma_start3A_119] : memref<4x128x128xf32, #tpu.memory_space<vmem>> -> memref<1x128x128xf32, #tpu.memory_space<vmem>>
    %dma_start3A_121 = tpu.memref_squeeze %dma_start3A_120 : memref<1x128x128xf32, #tpu.memory_space<vmem>> -> memref<128x128xf32, #tpu.memory_space<vmem>>
    tpu.enqueue_dma source(%dma_start3A_121 : memref<128x128xf32, #tpu.memory_space<vmem>>) target(%dma_start3A_117 : memref<128x128xf32, #tpu.memory_space<hbm>>) target_semaphore(%arg10 : memref<!tpu.dma_semaphore, #tpu.memory_space<semaphore_mem>>)
    %dma_wait3A_122 = arith.constant 3 : i32
    %dma_wait3A_123 = arith.constant 0 : i32
    %dma_wait3A_124 = arith.constant 0 : i32
    %dma_wait3A_125 = tpu.memref_slice %arg7[%dma_wait3A_122, %dma_wait3A_123, %dma_wait3A_124] : memref<4x128x128xf32, #tpu.memory_space<vmem>> -> memref<1x128x128xf32, #tpu.memory_space<vmem>>
    %dma_wait3A_126 = tpu.memref_squeeze %dma_wait3A_125 : memref<1x128x128xf32, #tpu.memory_space<vmem>> -> memref<128x128xf32, #tpu.memory_space<vmem>>
    %dma_wait3A_127 = arith.constant 384 : i32
    %dma_wait3A_128 = tpu.memref_slice %arg5[%dma_wait3A_127] : memref<512xi32, #tpu.memory_space<vmem>> -> memref<128xi32, #tpu.memory_space<vmem>>
    %dma_wait3A_129 = arith.constant 0 : i32
    %dma_wait3A_130 = arith.constant 0 : i32
    %dma_wait3A_131 = tpu.memref_slice %arg6[%dma_wait3A_129, %dma_wait3A_130] : memref<500x128xf32, #tpu.memory_space<vmem_shared>> -> memref<500x128xf32, #tpu.memory_space<vmem_shared>>
    tpu.wait_indirect_dma semaphore(%arg14 : memref<!tpu.dma_semaphore, #tpu.memory_space<semaphore_mem>>) src(%dma_wait3A_131 : memref<500x128xf32, #tpu.memory_space<vmem_shared>>) dst(%dma_wait3A_126 : memref<128x128xf32, #tpu.memory_space<vmem>>)
    %add3A_132 = arith.constant 384 : i32
    %add3A_133 = arith.addi %mul3A_2, %add3A_132 : i32
    %dma_start3A_134 = arith.constant 3 : i32
    %dma_start3A_135 = arith.constant 0 : i32
    %dma_start3A_136 = arith.constant 0 : i32
    %dma_start3A_137 = tpu.memref_slice %arg7[%dma_start3A_134, %dma_start3A_135, %dma_start3A_136] : memref<4x128x128xf32, #tpu.memory_space<vmem>> -> memref<1x128x128xf32, #tpu.memory_space<vmem>>
    %dma_start3A_138 = tpu.memref_squeeze %dma_start3A_137 : memref<1x128x128xf32, #tpu.memory_space<vmem>> -> memref<128x128xf32, #tpu.memory_space<vmem>>
    %dma_start3A_139 = arith.constant 0 : i32
    %dma_start3A_140 = tpu.memref_slice %arg4[%add3A_133, %dma_start3A_139] : memref<16384x256xf32, #tpu.memory_space<hbm>> -> memref<128x128xf32, #tpu.memory_space<hbm>>
    %dma_start3A_141 = arith.constant 0 : i32
    %dma_start3A_142 = tpu.memref_slice %arg4[%add3A_133, %dma_start3A_141] : memref<16384x256xf32, #tpu.memory_space<hbm>> -> memref<128x128xf32, #tpu.memory_space<hbm>>
    %dma_start3A_143 = arith.constant 0 : i32
    %dma_start3A_144 = arith.constant 0 : i32
    %dma_start3A_145 = tpu.memref_slice %arg7[%dma_start3A_134, %dma_start3A_143, %dma_start3A_144] : memref<4x128x128xf32, #tpu.memory_space<vmem>> -> memref<1x128x128xf32, #tpu.memory_space<vmem>>
    %dma_start3A_146 = tpu.memref_squeeze %dma_start3A_145 : memref<1x128x128xf32, #tpu.memory_space<vmem>> -> memref<128x128xf32, #tpu.memory_space<vmem>>
    tpu.enqueue_dma source(%dma_start3A_146 : memref<128x128xf32, #tpu.memory_space<vmem>>) target(%dma_start3A_142 : memref<128x128xf32, #tpu.memory_space<hbm>>) target_semaphore(%arg10 : memref<!tpu.dma_semaphore, #tpu.memory_space<semaphore_mem>>)
    %dma_wait3A_147 = arith.constant 0 : i32
    %dma_wait3A_148 = arith.constant 0 : i32
    %dma_wait3A_149 = arith.constant 0 : i32
    %dma_wait3A_150 = tpu.memref_slice %arg7[%dma_wait3A_147, %dma_wait3A_148, %dma_wait3A_149] : memref<4x128x128xf32, #tpu.memory_space<vmem>> -> memref<1x128x128xf32, #tpu.memory_space<vmem>>
    %dma_wait3A_151 = tpu.memref_squeeze %dma_wait3A_150 : memref<1x128x128xf32, #tpu.memory_space<vmem>> -> memref<128x128xf32, #tpu.memory_space<vmem>>
    %dma_wait3A_152 = arith.constant 0 : i32
    %dma_wait3A_153 = tpu.memref_slice %arg4[%add3A_58, %dma_wait3A_152] : memref<16384x256xf32, #tpu.memory_space<hbm>> -> memref<128x128xf32, #tpu.memory_space<hbm>>
    %dma_wait3A_154 = arith.constant 0 : i32
    %dma_wait3A_155 = tpu.memref_slice %arg4[%add3A_58, %dma_wait3A_154] : memref<16384x256xf32, #tpu.memory_space<hbm>> -> memref<128x128xf32, #tpu.memory_space<hbm>>
    %dma_wait3A_156 = arith.constant 0 : i32
    %dma_wait3A_157 = arith.constant 0 : i32
    %dma_wait3A_158 = tpu.memref_slice %arg7[%dma_wait3A_147, %dma_wait3A_156, %dma_wait3A_157] : memref<4x128x128xf32, #tpu.memory_space<vmem>> -> memref<1x128x128xf32, #tpu.memory_space<vmem>>
    %dma_wait3A_159 = tpu.memref_squeeze %dma_wait3A_158 : memref<1x128x128xf32, #tpu.memory_space<vmem>> -> memref<128x128xf32, #tpu.memory_space<vmem>>
    tpu.wait_dma2 semaphore(%arg10 : memref<!tpu.dma_semaphore, #tpu.memory_space<semaphore_mem>>) src(%dma_wait3A_159 : memref<128x128xf32, #tpu.memory_space<vmem>>) dst(%dma_wait3A_155 : memref<128x128xf32, #tpu.memory_space<hbm>>)
    %dma_wait3A_160 = arith.constant 1 : i32
    %dma_wait3A_161 = arith.constant 0 : i32
    %dma_wait3A_162 = arith.constant 0 : i32
    %dma_wait3A_163 = tpu.memref_slice %arg7[%dma_wait3A_160, %dma_wait3A_161, %dma_wait3A_162] : memref<4x128x128xf32, #tpu.memory_space<vmem>> -> memref<1x128x128xf32, #tpu.memory_space<vmem>>
    %dma_wait3A_164 = tpu.memref_squeeze %dma_wait3A_163 : memref<1x128x128xf32, #tpu.memory_space<vmem>> -> memref<128x128xf32, #tpu.memory_space<vmem>>
    %dma_wait3A_165 = arith.constant 0 : i32
    %dma_wait3A_166 = tpu.memref_slice %arg4[%add3A_83, %dma_wait3A_165] : memref<16384x256xf32, #tpu.memory_space<hbm>> -> memref<128x128xf32, #tpu.memory_space<hbm>>
    %dma_wait3A_167 = arith.constant 0 : i32
    %dma_wait3A_168 = tpu.memref_slice %arg4[%add3A_83, %dma_wait3A_167] : memref<16384x256xf32, #tpu.memory_space<hbm>> -> memref<128x128xf32, #tpu.memory_space<hbm>>
    %dma_wait3A_169 = arith.constant 0 : i32
    %dma_wait3A_170 = arith.constant 0 : i32
    %dma_wait3A_171 = tpu.memref_slice %arg7[%dma_wait3A_160, %dma_wait3A_169, %dma_wait3A_170] : memref<4x128x128xf32, #tpu.memory_space<vmem>> -> memref<1x128x128xf32, #tpu.memory_space<vmem>>
    %dma_wait3A_172 = tpu.memref_squeeze %dma_wait3A_171 : memref<1x128x128xf32, #tpu.memory_space<vmem>> -> memref<128x128xf32, #tpu.memory_space<vmem>>
    tpu.wait_dma2 semaphore(%arg10 : memref<!tpu.dma_semaphore, #tpu.memory_space<semaphore_mem>>) src(%dma_wait3A_172 : memref<128x128xf32, #tpu.memory_space<vmem>>) dst(%dma_wait3A_168 : memref<128x128xf32, #tpu.memory_space<hbm>>)
    %dma_wait3A_173 = arith.constant 2 : i32
    %dma_wait3A_174 = arith.constant 0 : i32
    %dma_wait3A_175 = arith.constant 0 : i32
    %dma_wait3A_176 = tpu.memref_slice %arg7[%dma_wait3A_173, %dma_wait3A_174, %dma_wait3A_175] : memref<4x128x128xf32, #tpu.memory_space<vmem>> -> memref<1x128x128xf32, #tpu.memory_space<vmem>>
    %dma_wait3A_177 = tpu.memref_squeeze %dma_wait3A_176 : memref<1x128x128xf32, #tpu.memory_space<vmem>> -> memref<128x128xf32, #tpu.memory_space<vmem>>
    %dma_wait3A_178 = arith.constant 0 : i32
    %dma_wait3A_179 = tpu.memref_slice %arg4[%add3A_108, %dma_wait3A_178] : memref<16384x256xf32, #tpu.memory_space<hbm>> -> memref<128x128xf32, #tpu.memory_space<hbm>>
    %dma_wait3A_180 = arith.constant 0 : i32
    %dma_wait3A_181 = tpu.memref_slice %arg4[%add3A_108, %dma_wait3A_180] : memref<16384x256xf32, #tpu.memory_space<hbm>> -> memref<128x128xf32, #tpu.memory_space<hbm>>
    %dma_wait3A_182 = arith.constant 0 : i32
    %dma_wait3A_183 = arith.constant 0 : i32
    %dma_wait3A_184 = tpu.memref_slice %arg7[%dma_wait3A_173, %dma_wait3A_182, %dma_wait3A_183] : memref<4x128x128xf32, #tpu.memory_space<vmem>> -> memref<1x128x128xf32, #tpu.memory_space<vmem>>
    %dma_wait3A_185 = tpu.memref_squeeze %dma_wait3A_184 : memref<1x128x128xf32, #tpu.memory_space<vmem>> -> memref<128x128xf32, #tpu.memory_space<vmem>>
    tpu.wait_dma2 semaphore(%arg10 : memref<!tpu.dma_semaphore, #tpu.memory_space<semaphore_mem>>) src(%dma_wait3A_185 : memref<128x128xf32, #tpu.memory_space<vmem>>) dst(%dma_wait3A_181 : memref<128x128xf32, #tpu.memory_space<hbm>>)
    %dma_wait3A_186 = arith.constant 3 : i32
    %dma_wait3A_187 = arith.constant 0 : i32
    %dma_wait3A_188 = arith.constant 0 : i32
    %dma_wait3A_189 = tpu.memref_slice %arg7[%dma_wait3A_186, %dma_wait3A_187, %dma_wait3A_188] : memref<4x128x128xf32, #tpu.memory_space<vmem>> -> memref<1x128x128xf32, #tpu.memory_space<vmem>>
    %dma_wait3A_190 = tpu.memref_squeeze %dma_wait3A_189 : memref<1x128x128xf32, #tpu.memory_space<vmem>> -> memref<128x128xf32, #tpu.memory_space<vmem>>
    %dma_wait3A_191 = arith.constant 0 : i32
    %dma_wait3A_192 = tpu.memref_slice %arg4[%add3A_133, %dma_wait3A_191] : memref<16384x256xf32, #tpu.memory_space<hbm>> -> memref<128x128xf32, #tpu.memory_space<hbm>>
    %dma_wait3A_193 = arith.constant 0 : i32
    %dma_wait3A_194 = tpu.memref_slice %arg4[%add3A_133, %dma_wait3A_193] : memref<16384x256xf32, #tpu.memory_space<hbm>> -> memref<128x128xf32, #tpu.memory_space<hbm>>
    %dma_wait3A_195 = arith.constant 0 : i32
    %dma_wait3A_196 = arith.constant 0 : i32
    %dma_wait3A_197 = tpu.memref_slice %arg7[%dma_wait3A_186, %dma_wait3A_195, %dma_wait3A_196] : memref<4x128x128xf32, #tpu.memory_space<vmem>> -> memref<1x128x128xf32, #tpu.memory_space<vmem>>
    %dma_wait3A_198 = tpu.memref_squeeze %dma_wait3A_197 : memref<1x128x128xf32, #tpu.memory_space<vmem>> -> memref<128x128xf32, #tpu.memory_space<vmem>>
    tpu.wait_dma2 semaphore(%arg10 : memref<!tpu.dma_semaphore, #tpu.memory_space<semaphore_mem>>) src(%dma_wait3A_198 : memref<128x128xf32, #tpu.memory_space<vmem>>) dst(%dma_wait3A_194 : memref<128x128xf32, #tpu.memory_space<hbm>>)
    return
  }
}

module attributes {stable_mosaic.version = 14 : i64} {
  func.func @_mlp_body(%arg0: i32, %arg1: memref<16384x256xf32, #tpu.memory_space<any>>, %arg2: memref<8192x128xf32, #tpu.memory_space<vmem>>, %arg3: memref<128x128xf32, #tpu.memory_space<vmem>>, %arg4: memref<1x128xf32, #tpu.memory_space<vmem>>, %arg5: memref<128x128xf32, #tpu.memory_space<vmem>>, %arg6: memref<1x128xf32, #tpu.memory_space<vmem>>, %arg7: memref<8192x128xf32, #tpu.memory_space<vmem>>) attributes {dimension_semantics = [#tpu.dimension_semantics<arbitrary>], iteration_bounds = array<i64: 2>, scalar_prefetch = 0 : i64, scratch_operands = 0 : i64, tpu.core_type = #tpu.core_type<tc>, window_params = [{}, {transform_indices = @transform_1, window_bounds = array<i64: 8192, 128>}, {pipeline_mode = #tpu.pipeline_mode<synchronous>, transform_indices = @transform_2, window_bounds = array<i64: 128, 128>}, {pipeline_mode = #tpu.pipeline_mode<synchronous>, transform_indices = @transform_3, window_bounds = array<i64: 1, 128>}, {pipeline_mode = #tpu.pipeline_mode<synchronous>, transform_indices = @transform_4, window_bounds = array<i64: 128, 128>}, {pipeline_mode = #tpu.pipeline_mode<synchronous>, transform_indices = @transform_5, window_bounds = array<i64: 1, 128>}, {transform_indices = @transform_6, window_bounds = array<i64: 8192, 128>}]} {
    %get3A = arith.constant 0 : index
    %get3A_0 = arith.constant 0 : index
    %get3A_1 = vector.load %arg2[%get3A, %get3A_0] : memref<8192x128xf32, #tpu.memory_space<vmem>>, vector<8192x128xf32>
    %get3A_2 = arith.constant 0 : index
    %get3A_3 = arith.constant 0 : index
    %get3A_4 = vector.load %arg3[%get3A_2, %get3A_3] : memref<128x128xf32, #tpu.memory_space<vmem>>, vector<128x128xf32>
    %dot_general3A = arith.constant dense<0.000000e+00> : vector<8192x128xf32>
    %dot_general3A_5 = tpu.matmul %get3A_1, %get3A_4, %dot_general3A {dimension_numbers = #tpu.dot_dimension_numbers<[1], [1], [0], [0], [0, 0, 1, 0], [], []>, transpose_lhs_hint = false} : vector<8192x128xf32>, vector<128x128xf32>, vector<8192x128xf32> -> vector<8192x128xf32>
    %get3A_6 = arith.constant 0 : index
    %get3A_7 = arith.constant 0 : index
    %get3A_8 = vector.load %arg4[%get3A_6, %get3A_7] : memref<1x128xf32, #tpu.memory_space<vmem>>, vector<1x128xf32>
    %add3A = vector.broadcast %get3A_8 : vector<1x128xf32> to vector<8192x128xf32>
    %add3A_9 = arith.addf %dot_general3A_5, %add3A : vector<8192x128xf32>
    %max3A = arith.constant 0.000000e+00 : f32
    %max3A_10 = vector.broadcast %max3A : f32 to vector<8192x128xf32>
    %max3A_11 = arith.maximumf %add3A_9, %max3A_10 : vector<8192x128xf32>
    %get3A_12 = arith.constant 0 : index
    %get3A_13 = arith.constant 0 : index
    %get3A_14 = vector.load %arg5[%get3A_12, %get3A_13] : memref<128x128xf32, #tpu.memory_space<vmem>>, vector<128x128xf32>
    %dot_general3A_15 = arith.constant dense<0.000000e+00> : vector<8192x128xf32>
    %dot_general3A_16 = tpu.matmul %max3A_11, %get3A_14, %dot_general3A_15 {dimension_numbers = #tpu.dot_dimension_numbers<[1], [1], [0], [0], [0, 0, 1, 0], [], []>, transpose_lhs_hint = false} : vector<8192x128xf32>, vector<128x128xf32>, vector<8192x128xf32> -> vector<8192x128xf32>
    %get3A_17 = arith.constant 0 : index
    %get3A_18 = arith.constant 0 : index
    %get3A_19 = vector.load %arg6[%get3A_17, %get3A_18] : memref<1x128xf32, #tpu.memory_space<vmem>>, vector<1x128xf32>
    %add3A_20 = vector.broadcast %get3A_19 : vector<1x128xf32> to vector<8192x128xf32>
    %add3A_21 = arith.addf %dot_general3A_16, %add3A_20 : vector<8192x128xf32>
    %swap3A = arith.constant 0 : index
    %swap3A_22 = arith.constant 0 : index
    %swap3A_23 = vector.load %arg7[%swap3A, %swap3A_22] : memref<8192x128xf32, #tpu.memory_space<vmem>>, vector<8192x128xf32>
    tpu.vector_store %arg7[%swap3A, %swap3A_22], %add3A_21 {strides = array<i32>} : memref<8192x128xf32, #tpu.memory_space<vmem>>, vector<8192x128xf32>,
    return
  }
  func.func @transform_1(%arg0: i32) -> (i32, i32) {
    %c0_i32 = arith.constant 0 : i32
    %c0_i32_0 = arith.constant 0 : i32
    return %arg0, %c0_i32 : i32, i32
  }
  func.func @transform_2(%arg0: i32) -> (i32, i32) {
    %c0_i32 = arith.constant 0 : i32
    %c0_i32_0 = arith.constant 0 : i32
    %c0_i32_1 = arith.constant 0 : i32
    return %c0_i32, %c0_i32_0 : i32, i32
  }
  func.func @transform_3(%arg0: i32) -> (i32, i32) {
    %c0_i32 = arith.constant 0 : i32
    %c0_i32_0 = arith.constant 0 : i32
    %c0_i32_1 = arith.constant 0 : i32
    return %c0_i32, %c0_i32_0 : i32, i32
  }
  func.func @transform_4(%arg0: i32) -> (i32, i32) {
    %c0_i32 = arith.constant 0 : i32
    %c0_i32_0 = arith.constant 0 : i32
    %c0_i32_1 = arith.constant 0 : i32
    return %c0_i32, %c0_i32_0 : i32, i32
  }
  func.func @transform_5(%arg0: i32) -> (i32, i32) {
    %c0_i32 = arith.constant 0 : i32
    %c0_i32_0 = arith.constant 0 : i32
    %c0_i32_1 = arith.constant 0 : i32
    return %c0_i32, %c0_i32_0 : i32, i32
  }
  func.func @transform_6(%arg0: i32) -> (i32, i32) {
    %c1_i32 = arith.constant 1 : i32
    %c0_i32 = arith.constant 0 : i32
    return %arg0, %c1_i32 : i32, i32
  }
}

</mosaic_0001>

<sc_bundles>
// kernel: kernel.4.cloned.1.call-start
scs
__scs_entry_jumppad:
0x0: {  	(pc) =	sbr.rel $0x88, $3  }
0x1: {  	(tag) =	ssettag $0x0;
	lr =	simm.s32 $0x1  }
0x2: {  	[smem:$0x3F9A] =	sst lr;
	_ =	strace $0xD0000000  }
0x3: {  	_ = 	snop  }
0x4: {  	_ = 	snop  }
0x5: {  	_ = 	snop  }
0x6: {  	_ = 	snop  }
0x7: {  	_ = 	snop  }
__scs_overlays_trampoline_lowered:
0x8: {  	[smem:$0x3FA9] =	sst s0  }
0x9: {  	[smem:$0x3FAA] =	sst s1  }
0xa: {  	[smem:$0x3FAB] =	sst s2  }
0xb: {  	[smem:$0x3FAC] =	sst s3  }
0xc: {  	[smem:$0x3FAD] =	sst s4  }
0xd: {  	[smem:$0x3FAE] =	sst s5  }
0xe: {  	[smem:$0x3FAF] =	sst s6  }
0xf: {  	[smem:$0x3FB0] =	sst s7  }
0x10: {  	[smem:$0x3FB1] =	sst s8  }
0x11: {  	[smem:$0x3FB2] =	sst s9;
	s0 =	simm.s32 @!p0 $0x0  }
0x12: {  	s1 =	sld [smem:$0x3F98];
	s0 =	simm.s32 @p0 $0x1  }
0x13: {  	[smem:$0x3FB3] =	sst s0;
	s0 =	simm.s32 @!p1 $0x0  }
0x14: {  	s2 =	sld [smem:$0x3F97];
	s0 =	simm.s32 @p1 $0x1  }
0x15: {  	[smem:$0x3FB4] =	sst s0;
	s0 =	simm.s32 @!p2 $0x0  }
0x16: {  	s3 =	sld [smem:$0x3FDB];
	s0 =	simm.s32 @p2 $0x1  }
0x17: {  	s4 =	simm.s32 $0x1BF5;
	[smem:$0x3FB6] =	sst s0  }
0x18: {  	s0 =	sld [smem:$0x3F99];
	_ =	swait.ge [sflag:s4], $0x0  }
0x19: {  	s7 =	sld [smem:$0x3F9A]  }
0x1a: {  	s8 =	sadd.s32 $0xFFFFE003, lr  }
0x1b: {  	s9 =	sadd.s32 $0xFFFFFEF7, lr;
	s5 =	simm.s32 $0xFFFFFFFF;
	p2 =	slt.u32 s8, $0xFFFFF086  }
0x1c: {  	p1 =	slt.u32 s9, $0xF7A;
	s5 =	simm.s32 @!p2 $0x0  }
0x1d: {  	s5 =	simm.s32 @p1 $0x1;
	p0 =	seq.s32 s7, s2  }
0x1e: {  	s7 =	smul.u32 @!p0 $0xF7A, s2;
	p2 =	seq.s32 @!p0 s5, $0x0  }
0x1f: {  	s9 =	smul.u32 $0xF7A, s1;
	s8 =	simm.s32 @!p0 $0x1BF5;
	p2 =	por !p2, p0  }
0x20: {  	[sflag:s8] =	ssyncset.s32 @!p0 $0xFFFFF086;
	s6 =	sadd.s32 @!p0 s3, s7;
	s7 =	simm.s32 @!p0 $0x108  }
0x21: {  	s3 =	sadd.s32 s3, s9;
	s6 =	sadd.s32 @!p0 $0x88, s6;
	s7 =	simm.s32 @p2 $0x1082  }
0x22: {  	[simem:s7], [sflag:s8] =	dma.local @!p0 [hbm:s6], $0xF7A  }
0x23: {  	s9 =	sor.u32 $0xD0000000, s2;
	s6 =	simm.s32 $0x108;
	_ =	swait.ge @!p0 [sflag:s8], $0x0  }
0x24: {  	s3 =	sadd.s32 $0x88, s3;
	s6 =	simm.s32 @!p1 $0x1082;
	[sflag:s4] =	ssyncset.s32 $0xFFFFF086  }
0x25: {  	[simem:s6], [sflag:s4] =	dma.local [hbm:s3], $0xF7A  }
0x26: {  	[smem:$0x3F9A] =	sst s1;
	(tag) =	ssettag s2;
	_ =	strace s9  }
0x27: {  	s1 =	sld [smem:$0x3FAA]  }
0x28: {  	s2 =	sld [smem:$0x3FAB]  }
0x29: {  	s4 =	sld [smem:$0x3FAD]  }
0x2a: {  	p0 =	seq.s32 s5, $0x0;
	s5 =	sld [smem:$0x3FAE]  }
0x2b: {  	s6 =	sld [smem:$0x3FAF]  }
0x2c: {  	s7 =	sld [smem:$0x3FB0]  }
0x2d: {  	s3 =	simm.s32 $0x108;
	s8 =	sld [smem:$0x3FB1]  }
0x2e: {  	s3 =	simm.s32 @!p0 $0x1082;
	s9 =	sld [smem:$0x3FB2]  }
0x2f: {  	lr =	sadd.s32 s0, s3;
	s0 =	sld [smem:$0x3FA9]  }
0x30: {  	s3 =	sld [smem:$0x3FAC]  }
0x31: {  	[smem:$0x3FB5] =	sst s10  }
0x32: {  	s10 =	sld [smem:$0x3FB3];
	_ =	sdelay $0x3  }
0x33: {  	p0 =	seq.s32 s10, $0x1;
	s10 =	sld [smem:$0x3FB5];
	_ =	sdelay $0x3  }
0x34: {  	[smem:$0x3FB5] =	sst s10  }
0x35: {  	s10 =	sld [smem:$0x3FB4];
	_ =	sdelay $0x3  }
0x36: {  	p1 =	seq.s32 s10, $0x1;
	s10 =	sld [smem:$0x3FB5];
	_ =	sdelay $0x3  }
0x37: {  	[smem:$0x3FB5] =	sst s10  }
0x38: {  	s10 =	sld [smem:$0x3FB6]  }
0x39: {  	_ = 	snop;
	(pc) =	sbr.ind lr, $3  }
0x3a: {  	_ = 	snop  }
0x3b: {  	_ = 	snop  }
0x3c: {  	p2 =	seq.s32 s10, $0x1;
	s10 =	sld [smem:$0x3FB5]  }
0x3d: {  	_ =	shalt  }
0x3e: {  	_ =	shalt  }
0x3f: {  	_ =	shalt  }
0x40: {  	_ =	shalt  }
0x41: {  	_ =	shalt  }
0x42: {  	_ =	shalt  }
0x43: {  	_ =	shalt  }
0x44: {  	_ =	shalt  }
0x45: {  	_ =	shalt  }
0x46: {  	_ =	shalt  }
0x47: {  	_ =	shalt  }
0x48: {  	_ =	shalt  }
0x49: {  	_ =	shalt  }
0x4a: {  	_ =	shalt  }
0x4b: {  	_ =	shalt  }
0x4c: {  	_ =	shalt  }
0x4d: {  	_ =	shalt  }
0x4e: {  	_ =	shalt  }
0x4f: {  	_ =	shalt  }
0x50: {  	_ =	shalt  }
0x51: {  	_ =	shalt  }
0x52: {  	_ =	shalt  }
0x53: {  	_ =	shalt  }
0x54: {  	_ =	shalt  }
0x55: {  	_ =	shalt  }
0x56: {  	_ =	shalt  }
0x57: {  	_ =	shalt  }
0x58: {  	_ =	shalt  }
0x59: {  	_ =	shalt  }
0x5a: {  	_ =	shalt  }
0x5b: {  	_ =	shalt  }
0x5c: {  	_ =	shalt  }
0x5d: {  	_ =	shalt  }
0x5e: {  	_ =	shalt  }
0x5f: {  	_ =	shalt  }
0x60: {  	_ =	shalt  }
0x61: {  	_ =	shalt  }
0x62: {  	_ =	shalt  }
0x63: {  	_ =	shalt  }
0x64: {  	_ =	shalt  }
0x65: {  	_ =	shalt  }
0x66: {  	_ =	shalt  }
0x67: {  	_ =	shalt  }
0x68: {  	_ =	shalt  }
0x69: {  	_ =	shalt  }
0x6a: {  	_ =	shalt  }
0x6b: {  	_ =	shalt  }
0x6c: {  	_ =	shalt  }
0x6d: {  	_ =	shalt  }
0x6e: {  	_ =	shalt  }
0x6f: {  	_ =	shalt  }
0x70: {  	_ =	shalt  }
0x71: {  	_ =	shalt  }
0x72: {  	_ =	shalt  }
0x73: {  	_ =	shalt  }
0x74: {  	_ =	shalt  }
0x75: {  	_ =	shalt  }
0x76: {  	_ =	shalt  }
0x77: {  	_ =	shalt  }
0x78: {  	_ =	shalt  }
0x79: {  	_ =	shalt  }
0x7a: {  	_ =	shalt  }
0x7b: {  	_ =	shalt  }
0x7c: {  	_ =	shalt  }
0x7d: {  	_ =	shalt  }
0x7e: {  	_ =	shalt  }
0x7f: {  	_ =	shalt  }
0x80: {  	_ =	shalt  }
0x81: {  	_ =	shalt  }
0x82: {  	_ =	shalt  }
0x83: {  	_ =	shalt  }
0x84: {  	_ =	shalt  }
0x85: {  	_ =	shalt  }
0x86: {  	_ =	shalt  }
0x87: {  	_ =	shalt  }
.Lfunc_end0:
.L_simem_size_0:
called_computation_lowered:
.L_overlay_start_0:
0x88: {  	s2 =	sld [smem:$0x3FD9]  }
0x89: {  	s3 =	sld [smem:$0x3FFE];
	_ =	sdelay $0x1  }
0x8a: {  	s1 =	srdreg.scid  }
0x8b: {  	s0 =	sand.u32 $0x1, s1  }
0x8c: {  	s18 =	sshll.u32 s0, $0xA;
	s2 =	sadd.s32 s3, s2  }
0x8d: {  	s2 =	sadd.s32 s2, s18  }
0x8e: {  	[smem:$0x3FC1] =	sst s2  }
0x8f: {  	_ = 	snop  }
0x90: {  	s2 =	sld [smem:$0x3FC9]  }
0x91: {  	s19 =	sld [smem:$0x3FC7]  }
0x92: {  	s4 =	sld [smem:$0x3FD0];
	(tm) =	ssettm $0x1  }
0x93: {  	s5 =	sld [smem:$0x3FFB];
	_ =	sdelay $0x3  }
0x94: {  	_ =	strace s5  }
0x95: {  	s5 =	sld [smem:$0x3FFC];
	_ =	sdelay $0x3  }
0x96: {  	_ =	strace s5  }
0x97: {  	s5 =	sld [smem:$0x3FFD];
	_ =	sdelay $0x3  }
0x98: {  	_ =	strace s5  }
0x99: {  	_ =	strace $0x8FFFFFFF  }
0x9a: {  	s20 =	sld [smem:$0x3FDB];
	_ =	sdelay $0x1  }
0x9b: {  	s6 =	simm.s32 $_scs_section_size  }
0x9c: {  	s7 =	simm.s32 $_size__tile_overlayer_lowered;
	s8 =	simm.s32 $_tile_overlayer_lowered  }
0x9d: {  	s23 =	simm.s32 $0x1BFF;
	s22 =	sshll.u32 s8, $0x1;
	s5 =	sadd.s32 s6, s20  }
0x9e: {  	s9 =	simm.s32 $0x0;
	s21 =	sshll.u32 s7, $0x1;
	s7 =	sadd.s32 s22, s5  }
0x9f: {  	[timem:s9], [sflag:s23] =	dma.local [hbm:s7], s21  }
0xa0: {  	_ =	swait.ge [sflag:s23], s21  }
0xa1: {  	s6 =	ssub.s32 $0x0, s21;
	[sflag:s23] =	ssyncset.done $0x0  }
0xa2: {  	[sflag:s23] =	ssyncadd.s32 s6;
	_ =	sdelay $0x1  }
0xa3: {  	s24 =	simm.s32 $0x1B8B  }
0xa4: {  	_ =	swait.ge [sflag:s24], $0x1  }
0xa5: {  	[sflag:s24] =	ssyncset.done $0x0  }
0xa6: {  	s25 =	simm.s32 $0x1B8E;
	[sflag:s24] =	ssyncadd.s32 $0xFFFFFFFF  }
0xa7: {  	s26 =	simm.s32 $execute0_lowered;
	[smem:$0x3FD2] =	sst s25  }
0xa8: {  	s6 =	sshll.u32 s26, $0x1;
	_ =	strace $0x80000046;
	[dreg:$0x1] =	wrdreg $0xFFFFFFFF  }
0xa9: {  	s28 =	simm.s32 $_size_execute0_lowered;
	s5 =	sadd.s32 s5, s6;
	[dreg:$0x0] =	wrdreg $0x0  }
0xaa: {  	s6 =	sshll.u32 s28, $0x1;
	[dreg:$0x2] =	wrdreg s5  }
0xab: {  	[dreg:$0x3] =	wrdreg s6  }
0xac: {  	[dreg:$0x4] =	wrdreg $0xC0  }
0xad: {  	_ =	task [dreg:s9], $0x5FFFF  }
0xae: {  	[dreg:$0x1] =	wrdreg $0xFFFFFFFF  }
0xaf: {  	[dreg:$0x0] =	wrdreg $0x60  }
0xb0: {  	[dreg:$0x2] =	wrdreg s2  }
0xb1: {  	[dreg:$0x3] =	wrdreg s19  }
0xb2: {  	[dreg:$0x4] =	wrdreg s4  }
0xb3: {  	[dreg:$0x5] =	wrdreg $0x2000  }
0xb4: {  	[dreg:$0x6] =	wrdreg $0x9  }
0xb5: {  	_ =	task.clear_ibuf [dreg:s9], $0x7FFFF;
	_ =	strace $0x90000046  }
0xb6: {  	s29 =	simm.s32 $0x9;
	_ =	strace $0x80000048  }
0xb7: {  	_ =	swait.ge [sflag:s29], $0x1  }
0xb8: {  	[sflag:s29] =	ssyncadd.s32 $0xFFFFFFFF  }
0xb9: {  	_ =	strace $0x90000048  }
0xba: {  	_ =	sfence  }
0xbb: {  	s30 =	sld [smem:$0x0];
	_ =	sdelay $0x2  }
0xbc: {  	s31 =	sshll.u32 s1, $0xD;
	s1 =	sshrl.u32 s1, $0x2  }
0xbd: {  	s3 =	sand.u32 $0x4000, s31;
	s1 =	sadd.s32 s1, s30  }
0xbe: {  	s0 =	sor.u32 s3, s0;
	s1 =	sshll.u32 s1, $0x11  }
0xbf: {  	s0 =	sor.u32 s1, s0  }
0xc0: {  	s0 =	sadd.s32 $0x8F2B, s0  }
0xc1: {  	[sflag:s0] =	ssyncadd.remote.s32 $0x1  }
0xc2: {  	_ =	sfence.sel $0xFFFF  }
0xc3: {  	[dreg:$0x0] =	wrdreg $0xFFFFFFFF;
	(pc) =	sbr.abs _section_cstart, $3  }
0xc4: {  	[dreg:$0x1] =	wrdreg $0xFFFFFFFF  }
0xc5: {  	_ =	task.clear_ibuf [dreg:s9], $0x2FFFF;
	_ =	strace $0x9FFFFFFF  }
0xc6: {  	(tm) =	ssettm $0x7FFFFFFF  }
0xc7: {  	_ =	shalt  }
tec
execute0_lowered:
.L_overlay_start_1:
0x0: {  	(tag) =	ssettag $0x1  }
0x1: {  	s2 =	rddreg [dreg:$0x0]  }
0x2: {  	s6 =	rddreg [dreg:$0x1]  }
0x3: {  	s4 =	rddreg [dreg:$0x2]  }
0x4: {  	s1 =	rddreg [dreg:$0x3]  }
0x5: {  	s0 =	rddreg [dreg:$0x4];
	s5 =	srdreg.scid;
	s3 =	simm.s32 $0x0  }
0x6: {  	s7 =	stileid.u32;
	s19 =	simm.s32 $0x2;
	s17 =	simm.s32 $0x80  }
0x7: {  	s14 =	simm.s32 $0x11A0;
	s13 =	simm.s32 $0x51A0;
	s5 =	sand.u32 $0x1, s5  }
0x8: {  	s20 =	simm.s32 $0x100;
	s9 =	sshll.u32 s5, $0x9;
	s5 =	ssub.s32 $0x2, s5  }
0x9: {  	s23 =	simm.s32 $0x180;
	s8 =	sshll.u32 s7, $0xA;
	s30 =	sshrl.u32 s5, $0x1  }
0xa: {  	s21 =	simm.s32 $0x4;
	s8 =	sor.u32 s9, s8;
	s9 =	ssub.s32 s5, s30  }
0xb: {  	s11 =	simm.s32 $0x400;
	s12 =	simm.s32 $0x800;
	s31 =	smax.u32 s9, $0x1  }
0xc: {  	s22 =	simm.s32 $0x5;
	s18 =	simm.s32 $0x6;
	s28 =	sadd.s32 $0xFFFFFFFF, s31  }
0xd: {  	s16 =	simm.s32 $0x7;
	p1 =	por $0x0, $0x0;
	p2 =	sne.s32 s28, $0x0  }
.Ltmp0:
0xe: {  	[smem:$0x7FF] =	sst s3;
	p0 =	sne.s32 s7, $0x0;
	(pc) =	sbr.rel @!p2 .LBB2_3-.Ltmp0, $4  }
0xf: {  	s7 =	simm.s32 $0x3;
	_ =	strace $0x80000047;
	s10 =	sshrl.u32 s8, $0x3  }
0x10: {  	s24 =	sshrl.u32 @!p0 s1, $0x3;
	s8 =	sshll.u32 s8, $0x5;
	s15 =	sadd.s32 s2, s10  }
0x11: {  	s8 =	sadd.s32 s4, s8;
	s10 =	simm.s32 $0x91A0;
	s9 =	simm.s32 $0xD1A0  }
0x12: {  	s5 =	sadd.s32 $0x1000, s8;
	s4 =	sadd.s32 $0x2000, s8;
	s2 =	sadd.s32 $0x3000, s8  }
0x13: {  	s25 =	simm.s32 @!p0 $0x1C01;
	s26 =	simm.s32 @!p0 $0x1  }
0x14: {  	[spmem:s24], [sflag:s25] =	dma.local @!p0 [hbm:s6], $0x1F40  }
0x15: {  	_ =	swait.ge @!p0 [sflag:s26], $0x1F40  }
0x16: {  	[sflag:s26] =	ssyncset.done @!p0 $0x0  }
0x17: {  	[sflag:s26] =	ssyncadd.s32 @!p0 $0xFFFFE0C0  }
0x18: {  	[tilespmem:s3], [sflag:$0x2] =	stream.linear.gather [hbm4b:s15+s3], $0x200, $0x38;
	[tilespmem:$0x111A0] =	vst v63  }
0x19: {  	[bflag:$0x0] =	sbarrier.arrive $0xFFFF  }
0x1a: {  	_ =	swait.ge [sflag:s19], $0x200  }
0x1b: {  	[sflag:s19] =	ssyncset.done $0x0  }
0x1c: {  	[sflag:s19] =	ssyncadd.s32 $0xFFFFFE00  }
0x1d: {  	[tilespmem:s14], [sflag:$0x4] =	stream.indirect.gather [spmem:s1], $0x80, s3, s17, $0xb8;
	[tilespmem:$0x111A0] =	vst v63  }
0x1e: {  	_ = 	snop  }
0x1f: {  	[tilespmem:s13], [sflag:$0x5] =	stream.indirect.gather [spmem:s1], $0x80, s17, s17, $0xb8;
	[tilespmem:$0x111A0] =	vst v63  }
0x20: {  	_ = 	snop  }
0x21: {  	[tilespmem:s10], [sflag:$0x6] =	stream.indirect.gather [spmem:s1], $0x80, s20, s17, $0xb8;
	[tilespmem:$0x111A0] =	vst v63  }
0x22: {  	_ = 	snop  }
0x23: {  	[tilespmem:s9], [sflag:$0x7] =	stream.indirect.gather [spmem:s1], $0x80, s23, s17, $0xb8;
	[tilespmem:$0x111A0] =	vst v63  }
0x24: {  	_ =	swait.ge [sflag:s21], $0x4000  }
0x25: {  	[sflag:s21] =	ssyncset.done $0x0  }
0x26: {  	[sflag:s21] =	ssyncadd.s32 $0xFFFFC000  }
0x27: {  	[hbm4b:s8+s11] =	stream.strided.scatter [tilespmem:s14], [sflag:$0x3], $0x4000, s12, s11, $0x38;
	[tilespmem:$0x111A0] =	vst v63  }
0x28: {  	_ =	swait.ge [sflag:s22], $0x4000  }
0x29: {  	[sflag:s22] =	ssyncset.done $0x0  }
0x2a: {  	[sflag:s22] =	ssyncadd.s32 $0xFFFFC000  }
0x2b: {  	[hbm4b:s5+s11] =	stream.strided.scatter [tilespmem:s13], [sflag:$0x3], $0x4000, s12, s11, $0x38;
	[tilespmem:$0x111A0] =	vst v63  }
0x2c: {  	_ =	swait.ge [sflag:s18], $0x4000  }
0x2d: {  	[sflag:s18] =	ssyncset.done $0x0  }
0x2e: {  	[sflag:s18] =	ssyncadd.s32 $0xFFFFC000  }
0x2f: {  	[hbm4b:s4+s11] =	stream.strided.scatter [tilespmem:s10], [sflag:$0x3], $0x4000, s12, s11, $0x38;
	[tilespmem:$0x111A0] =	vst v63  }
0x30: {  	_ =	swait.ge [sflag:s16], $0x4000  }
0x31: {  	[sflag:s16] =	ssyncset.done $0x0  }
0x32: {  	[sflag:s16] =	ssyncadd.s32 $0xFFFFC000  }
0x33: {  	[hbm4b:s2+s11] =	stream.strided.scatter [tilespmem:s9], [sflag:$0x3], $0x4000, s12, s11, $0x38;
	[tilespmem:$0x111A0] =	vst v63  }
0x34: {  	_ =	swait.ge [sflag:s7], $0x4000  }
0x35: {  	[sflag:s7] =	ssyncset.done $0x0  }
0x36: {  	[sflag:s7] =	ssyncadd.s32 $0xFFFFC000  }
0x37: {  	_ =	swait.ge [sflag:s7], $0x4000  }
0x38: {  	s28 =	sadd.s32 $0xFFFFFFFF, s28;
	[sflag:s7] =	ssyncset.done $0x0  }
0x39: {  	p2 =	sne.s32 s28, $0x0;
	[sflag:s7] =	ssyncadd.s32 $0xFFFFC000  }
.Ltmp1:
0x3a: {  	_ =	swait.ge [sflag:s7], $0x4000;
	(pc) =	sbr.rel @!p2 .LBB2_3-.Ltmp1, $4  }
0x3b: {  	[sflag:s7] =	ssyncset.done $0x0  }
0x3c: {  	[sflag:s7] =	ssyncadd.s32 $0xFFFFC000  }
0x3d: {  	_ =	swait.ge [sflag:s7], $0x4000  }
0x3e: {  	p1 =	por $0x1, $0x1;
	[sflag:s7] =	ssyncset.done $0x0  }
.LBB2_2:
0x3f: {  	[sflag:s7] =	ssyncadd.s32 $0xFFFFC000  }
0x40: {  	[spmem:s24], [sflag:s25] =	dma.local @!p0 [hbm:s6], $0x1F40  }
0x41: {  	s28 =	sadd.s32 $0xFFFFFFFF, s28;
	_ =	swait.ge @!p0 [sflag:s26], $0x1F40  }
0x42: {  	p2 =	sne.s32 s28, $0x0;
	[sflag:s26] =	ssyncset.done @!p0 $0x0  }
0x43: {  	[sflag:s26] =	ssyncadd.s32 @!p0 $0xFFFFE0C0  }
0x44: {  	[tilespmem:s3], [sflag:$0x2] =	stream.linear.gather [hbm4b:s15+s3], $0x200, $0x38;
	[tilespmem:$0x111A0] =	vst v63  }
0x45: {  	[bflag:$0x0] =	sbarrier.arrive $0xFFFF  }
0x46: {  	_ =	swait.ge [sflag:s19], $0x200  }
0x47: {  	[sflag:s19] =	ssyncset.done $0x0  }
0x48: {  	[sflag:s19] =	ssyncadd.s32 $0xFFFFFE00  }
0x49: {  	[tilespmem:s14], [sflag:$0x4] =	stream.indirect.gather [spmem:s1], $0x80, s3, s17, $0xb8;
	[tilespmem:$0x111A0] =	vst v63  }
0x4a: {  	_ = 	snop  }
0x4b: {  	[tilespmem:s13], [sflag:$0x5] =	stream.indirect.gather [spmem:s1], $0x80, s17, s17, $0xb8;
	[tilespmem:$0x111A0] =	vst v63  }
0x4c: {  	_ = 	snop  }
0x4d: {  	[tilespmem:s10], [sflag:$0x6] =	stream.indirect.gather [spmem:s1], $0x80, s20, s17, $0xb8;
	[tilespmem:$0x111A0] =	vst v63  }
0x4e: {  	_ = 	snop  }
0x4f: {  	[tilespmem:s9], [sflag:$0x7] =	stream.indirect.gather [spmem:s1], $0x80, s23, s17, $0xb8;
	[tilespmem:$0x111A0] =	vst v63  }
0x50: {  	_ =	swait.ge [sflag:s21], $0x4000  }
0x51: {  	[sflag:s21] =	ssyncset.done $0x0  }
0x52: {  	[sflag:s21] =	ssyncadd.s32 $0xFFFFC000  }
0x53: {  	[hbm4b:s8+s11] =	stream.strided.scatter [tilespmem:s14], [sflag:$0x3], $0x4000, s12, s11, $0x38;
	[tilespmem:$0x111A0] =	vst v63  }
0x54: {  	_ =	swait.ge [sflag:s22], $0x4000  }
0x55: {  	[sflag:s22] =	ssyncset.done $0x0  }
0x56: {  	[sflag:s22] =	ssyncadd.s32 $0xFFFFC000  }
0x57: {  	[hbm4b:s5+s11] =	stream.strided.scatter [tilespmem:s13], [sflag:$0x3], $0x4000, s12, s11, $0x38;
	[tilespmem:$0x111A0] =	vst v63  }
0x58: {  	_ =	swait.ge [sflag:s18], $0x4000  }
0x59: {  	[sflag:s18] =	ssyncset.done $0x0  }
0x5a: {  	[sflag:s18] =	ssyncadd.s32 $0xFFFFC000  }
0x5b: {  	[hbm4b:s4+s11] =	stream.strided.scatter [tilespmem:s10], [sflag:$0x3], $0x4000, s12, s11, $0x38;
	[tilespmem:$0x111A0] =	vst v63  }
0x5c: {  	_ =	swait.ge [sflag:s16], $0x4000  }
0x5d: {  	[sflag:s16] =	ssyncset.done $0x0  }
0x5e: {  	[sflag:s16] =	ssyncadd.s32 $0xFFFFC000  }
0x5f: {  	[hbm4b:s2+s11] =	stream.strided.scatter [tilespmem:s9], [sflag:$0x3], $0x4000, s12, s11, $0x38;
	[tilespmem:$0x111A0] =	vst v63  }
0x60: {  	_ =	swait.ge [sflag:s7], $0x4000  }
0x61: {  	[sflag:s7] =	ssyncset.done $0x0  }
0x62: {  	[sflag:s7] =	ssyncadd.s32 $0xFFFFC000  }
0x63: {  	_ =	swait.ge [sflag:s7], $0x4000  }
0x64: {  	[sflag:s7] =	ssyncset.done $0x0  }
0x65: {  	[sflag:s7] =	ssyncadd.s32 $0xFFFFC000  }
.Ltmp2:
0x66: {  	_ =	swait.ge [sflag:s7], $0x4000;
	(pc) =	sbr.rel @p2 .LBB2_2-.Ltmp2, $4  }
0x67: {  	[sflag:s7] =	ssyncset.done $0x0  }
0x68: {  	[sflag:s7] =	ssyncadd.s32 $0xFFFFC000  }
0x69: {  	_ =	swait.ge [sflag:s7], $0x4000  }
0x6a: {  	[sflag:s7] =	ssyncset.done $0x0  }
.LBB2_3:
0x6b: {  	s25 =	simm.s32 @!p0 $0x1C01;
	[sflag:s7] =	ssyncadd.s32 @p1 $0xFFFFC000  }
0x6c: {  	[spmem:s24], [sflag:s25] =	dma.local @!p0 [hbm:s6], $0x1F40  }
0x6d: {  	s6 =	simm.s32 @!p0 $0x1  }
0x6e: {  	_ =	swait.ge @!p0 [sflag:s6], $0x1F40  }
0x6f: {  	[sflag:s6] =	ssyncset.done @!p0 $0x0  }
0x70: {  	[sflag:s6] =	ssyncadd.s32 @!p0 $0xFFFFE0C0  }
0x71: {  	[tilespmem:s3], [sflag:$0x2] =	stream.linear.gather [hbm4b:s15+s3], $0x200, $0x38;
	[tilespmem:$0x111A0] =	vst v63  }
0x72: {  	[bflag:$0x0] =	sbarrier.arrive $0xFFFF  }
0x73: {  	_ =	swait.ge [sflag:s19], $0x200  }
0x74: {  	[sflag:s19] =	ssyncset.done $0x0  }
0x75: {  	[sflag:s19] =	ssyncadd.s32 $0xFFFFFE00  }
0x76: {  	[tilespmem:s14], [sflag:$0x4] =	stream.indirect.gather [spmem:s1], $0x80, s3, s17, $0xb8;
	[tilespmem:$0x111A0] =	vst v63  }
0x77: {  	_ = 	snop  }
0x78: {  	[tilespmem:s13], [sflag:$0x5] =	stream.indirect.gather [spmem:s1], $0x80, s17, s17, $0xb8;
	[tilespmem:$0x111A0] =	vst v63  }
0x79: {  	_ = 	snop  }
0x7a: {  	[tilespmem:s10], [sflag:$0x6] =	stream.indirect.gather [spmem:s1], $0x80, s20, s17, $0xb8;
	[tilespmem:$0x111A0] =	vst v63  }
0x7b: {  	_ = 	snop  }
0x7c: {  	[tilespmem:s9], [sflag:$0x7] =	stream.indirect.gather [spmem:s1], $0x80, s23, s17, $0xb8;
	[tilespmem:$0x111A0] =	vst v63  }
0x7d: {  	_ =	swait.ge [sflag:s21], $0x4000  }
0x7e: {  	[sflag:s21] =	ssyncset.done $0x0  }
0x7f: {  	[sflag:s21] =	ssyncadd.s32 $0xFFFFC000  }
0x80: {  	[hbm4b:s8+s11] =	stream.strided.scatter [tilespmem:s14], [sflag:$0x3], $0x4000, s12, s11, $0x38;
	[tilespmem:$0x111A0] =	vst v63  }
0x81: {  	_ =	swait.ge [sflag:s22], $0x4000  }
0x82: {  	[sflag:s22] =	ssyncset.done $0x0  }
0x83: {  	[sflag:s22] =	ssyncadd.s32 $0xFFFFC000  }
0x84: {  	[hbm4b:s5+s11] =	stream.strided.scatter [tilespmem:s13], [sflag:$0x3], $0x4000, s12, s11, $0x38;
	[tilespmem:$0x111A0] =	vst v63  }
0x85: {  	_ =	swait.ge [sflag:s18], $0x4000  }
0x86: {  	[sflag:s18] =	ssyncset.done $0x0  }
0x87: {  	[sflag:s18] =	ssyncadd.s32 $0xFFFFC000  }
0x88: {  	[hbm4b:s4+s11] =	stream.strided.scatter [tilespmem:s10], [sflag:$0x3], $0x4000, s12, s11, $0x38;
	[tilespmem:$0x111A0] =	vst v63  }
0x89: {  	_ =	swait.ge [sflag:s16], $0x4000  }
0x8a: {  	[sflag:s16] =	ssyncset.done $0x0  }
0x8b: {  	[sflag:s16] =	ssyncadd.s32 $0xFFFFC000  }
0x8c: {  	[hbm4b:s2+s11] =	stream.strided.scatter [tilespmem:s9], [sflag:$0x3], $0x4000, s12, s11, $0x38;
	[tilespmem:$0x111A0] =	vst v63  }
0x8d: {  	_ =	swait.ge [sflag:s7], $0x4000  }
0x8e: {  	[sflag:s7] =	ssyncset.done $0x0  }
0x8f: {  	[sflag:s7] =	ssyncadd.s32 $0xFFFFC000  }
0x90: {  	_ =	swait.ge [sflag:s7], $0x4000  }
0x91: {  	[sflag:s7] =	ssyncset.done $0x0  }
0x92: {  	[sflag:s7] =	ssyncadd.s32 $0xFFFFC000  }
0x93: {  	_ =	swait.ge [sflag:s7], $0x4000  }
0x94: {  	[sflag:s7] =	ssyncset.done $0x0  }
0x95: {  	[sflag:s7] =	ssyncadd.s32 $0xFFFFC000  }
0x96: {  	_ =	swait.ge [sflag:s7], $0x4000  }
0x97: {  	[sflag:s7] =	ssyncset.done $0x0  }
0x98: {  	[sflag:s7] =	ssyncadd.s32 $0xFFFFC000  }
0x99: {  	_ =	sfence.sel $0x180000  }
0x9a: {  	[bflag:$0x0] =	sbarrier.arrive $0xFFFF  }
0x9b: {  	_ =	strace $0x90000047  }
0x9c: {  	s0 =	sadd.s32 @!p0 $0x100000, s0;
	[bflag:$0x2] =	sbarrier.arrive $0xFFFF  }
0x9d: {  	[sflag:s0] =	ssyncadd.tile.s32 @!p0 $0x1;
	_ =	shalt  }
.Lfunc_end2:
_tile_overlayer_lowered:
.L_overlay_start_2:
0x9e: {  	(tag) =	ssettag $0x2  }
0x9f: {  	s0 =	rddreg [dreg:$0x0];
	s2 =	stileid.u32  }
0xa0: {  	s1 =	rddreg [dreg:$0x1];
	p0 =	sne.s32 s2, $0x0  }
0xa1: {  	s3 =	rddreg [dreg:$0x2];
	[bflag:$0x3] =	sbarrier.arrive $0xFFFF;
	s2 =	simm.s32 @!p0 $0x1C08  }
0xa2: {  	[timem:s3], [sflag:s2] =	dma.local @!p0 [hbm:s0], s1  }
0xa3: {  	s0 =	simm.s32 @!p0 $0x8  }
0xa4: {  	_ =	swait.ge @!p0 [sflag:s0], s1  }
0xa5: {  	s1 =	ssub.s32 @!p0 $0x0, s1;
	[sflag:s0] =	ssyncset.done @!p0 $0x0  }
0xa6: {  	[sflag:s0] =	ssyncadd.s32 @!p0 s1  }
0xa7: {  	[bflag:$0x3] =	sbarrier.arrive $0xFFFF  }
0xa8: {  	_ =	shalt  }

</sc_bundles>
